<compile_context>
chip_gen: v7x
topology: tpu7x:2x2x1
jax: 0.10.2.dev20260603
libtpu: 0.0.44.dev20260713+nightly
codegen_flags: <defaults>
</compile_context>

<pallas_src>
import functools

import jax
import jax.numpy as jnp
from jax import lax
from jax.experimental import pallas as pl
from jax.experimental.pallas import tpu as pltpu
from jax.experimental.pallas import tpu_sc as plsc

B = 16384
N_ANIMAL, D_ANIMAL = 80, 5
N_ITEM, D_ITEM = 20, 3
NC, NS, L = 2, 16, 16
NW = NC * NS
BPW = B // NW
CHUNKS = BPW // L
NG = B // 128


@functools.cache
def _build_sc_unit():
  mesh = plsc.VectorSubcoreMesh(
      core_axis_name="c", subcore_axis_name="s", num_cores=NC, num_subcores=NS
  )

  @functools.partial(
      pl.kernel,
      out_type=(
          jax.ShapeDtypeStruct((8 * B,), jnp.float32),
          jax.ShapeDtypeStruct((4 * B,), jnp.float32),
      ),
      mesh=mesh,
      scratch_types=[
          pltpu.VMEM((BPW,), jnp.int32),
          pltpu.VMEM((BPW,), jnp.int32),
          pltpu.VMEM((464,), jnp.float32),
          pltpu.VMEM((8 * BPW,), jnp.float32),
          pltpu.VMEM((4 * BPW,), jnp.float32),
          pltpu.SemaphoreType.DMA,
      ],
      compiler_params=pltpu.CompilerParams(
          needs_layout_passes=False,
          use_tc_tiling_on_sc=False,
          disable_bounds_checks=True,
          disable_semaphore_checks=True,
      ),
  )
  def sc_unit(aid_hbm, iid_hbm, pr_hbm, oa_hbm, oi_hbm,
              aid_v, iid_v, pr_v, oa_v, oi_v, sem):
    wid = lax.axis_index("s") * NC + lax.axis_index("c")
    base = wid * BPW
    cps = [
        pltpu.async_copy(aid_hbm.at[pl.ds(base, BPW)], aid_v, sem),
        pltpu.async_copy(iid_hbm.at[pl.ds(base, BPW)], iid_v, sem),
        pltpu.async_copy(pr_hbm, pr_v, sem),
    ]
    for cp in cps:
      cp.wait()

    @plsc.parallel_loop(0, CHUNKS, unroll=2)
    def body(c):
      off = c * L
      aid = aid_v[pl.ds(off, L)]
      iid = iid_v[pl.ds(off, L)]
      gl = off // 128
      lo = off % 128
      for d in range(D_ANIMAL):
        oa_v[pl.ds(gl * 1024 + d * 128 + lo, L)] = plsc.load_gather(
            pr_v, [aid * D_ANIMAL + d])
      for d in range(D_ITEM):
        oi_v[pl.ds(gl * 512 + d * 128 + lo, L)] = plsc.load_gather(
            pr_v, [400 + iid * D_ITEM + d])

    ocps = [
        pltpu.async_copy(oa_v, oa_hbm.at[pl.ds(8 * base, 8 * BPW)], sem),
        pltpu.async_copy(oi_v, oi_hbm.at[pl.ds(4 * base, 4 * BPW)], sem),
    ]
    for cp in ocps:
      cp.wait()

  return sc_unit


def _tc_stats(x_ref, w_ref, b_ref, o_ref):
  x = x_ref[...]
  up = jnp.concatenate([x[1:], x[:1]], axis=0)
  dn = jnp.concatenate([x[-1:], x[:-1]], axis=0)
  w00 = w_ref[0, 0]
  w01 = w_ref[0, 1]
  w10 = w_ref[1, 0]
  w11 = w_ref[1, 1]
  b0 = b_ref[0]
  b1 = b_ref[1]
  even = (lax.broadcasted_iota(jnp.int32, (256, 128), 0) % 2) == 0
  o_ref[...] = jnp.where(
      even, x * w00 + up * w01 + b0, dn * w10 + x * w11 + b1)


@functools.cache
def _build_tc_stats():
  return pl.pallas_call(
      _tc_stats,
      out_shape=jax.ShapeDtypeStruct((256, 128), jnp.float32),
      in_specs=[
          pl.BlockSpec(memory_space=pltpu.VMEM),
          pl.BlockSpec(memory_space=pltpu.SMEM),
          pl.BlockSpec(memory_space=pltpu.SMEM),
      ],
      out_specs=pl.BlockSpec(memory_space=pltpu.VMEM),
  )


def kernel(animal_id, item_id, hp_atk, table_animal, table_item, W, b):
  params = jnp.concatenate([
      table_animal.reshape(-1),
      table_item.reshape(-1),
      jnp.zeros((4,), jnp.float32),
  ])
  oa_f, oi_f = _build_sc_unit()(animal_id, item_id, params)

  x = hp_atk.T.reshape(2, NG, 128).transpose(1, 0, 2).reshape(256, 128)
  st = _build_tc_stats()(x, W, b)
  os_ = st.reshape(NG, 2, 128).transpose(1, 0, 2).reshape(2, B)

  oa = oa_f.reshape(NG, 8, 128)[:, :D_ANIMAL, :].transpose(1, 0, 2)
  oi = oi_f.reshape(NG, 4, 128)[:, :D_ITEM, :].transpose(1, 0, 2)
  return (
      oa.reshape(D_ANIMAL, B).T,
      oi.reshape(D_ITEM, B).T,
      os_.T,
  )

# --- scband reference (transcript-rebuilt; emitter-appended) ---
"""Pipeline reference for scband-unit-77970836291843 (READ-ONLY COPY).

The authoritative reference and input builder live on the scoring server;
editing this copy changes nothing except your own understanding.
"""

import jax, jax.numpy as jnp
import numpy as np

B = 16384
N_ANIMAL, D_ANIMAL = 80, 5
N_ITEM, D_ITEM = 20, 3

def setup_inputs(seed: int = 0) -> dict:
    key = jax.random.key(seed)
    k1, k2, k3, k4, k5, k6, k7 = jax.random.split(key, 7)
    animal_id = jax.random.randint(k1, (B,), 0, N_ANIMAL, dtype=jnp.int64 if jax.config.jax_enable_x64 else jnp.int32).astype(jnp.int32)
    item_id = jax.random.randint(k2, (B,), 0, N_ITEM, dtype=jnp.int32)
    hp_atk = jax.random.normal(k3, (B, 2), dtype=jnp.float32)
    # learned parameters (nn.Embedding default init ~ N(0,1); nn.Linear uniform)
    table_animal = jax.random.normal(k4, (N_ANIMAL, D_ANIMAL), dtype=jnp.float32)
    table_item = jax.random.normal(k5, (N_ITEM, D_ITEM), dtype=jnp.float32)
    bound = 1.0 / np.sqrt(2.0)
    W = jax.random.uniform(k6, (2, 2), minval=-bound, maxval=bound, dtype=jnp.float32)
    b = jax.random.uniform(k7, (2,), minval=-bound, maxval=bound, dtype=jnp.float32)
    return {"animal_id": animal_id, "item_id": item_id, "hp_atk": hp_atk,
            "table_animal": table_animal, "table_item": table_item, "W": W, "b": b}

def reference(animal_id, item_id, hp_atk, table_animal, table_item, W, b):
    # AnimalEmbed: embedding lookup on animal ids
    animal_emb = jnp.take(table_animal, animal_id, axis=0)   # [B, 5]
    # ItemEmbed: embedding lookup on item ids
    item_emb = jnp.take(table_item, item_id, axis=0)         # [B, 3]
    # nn.Linear(2, 2) on [hp, atk]
    stats = hp_atk @ W.T + b                                  # [B, 2]
    return (animal_emb, item_emb, stats)

if __name__ == "__main__":
    import jax
    _d = setup_inputs()
    print(jax.jit(kernel)(*tuple(_d.values())))

</pallas_src>

<mosaic_0001>
#map = affine_map<(d0, d1) -> (0)>
module attributes {stable_mosaic.version = 14 : i64} {
  func.func @sc_unit(%arg0: i32, %arg1: i32, %arg2: memref<16384xi32, #tpu.memory_space<hbm>>, %arg3: memref<16384xi32, #tpu.memory_space<hbm>>, %arg4: memref<464xf32, #tpu.memory_space<hbm>>, %arg5: memref<131072xf32, #tpu.memory_space<hbm>>, %arg6: memref<65536xf32, #tpu.memory_space<hbm>>, %arg7: memref<512xi32, #tpu.memory_space<vmem>>, %arg8: memref<512xi32, #tpu.memory_space<vmem>>, %arg9: memref<464xf32, #tpu.memory_space<vmem>>, %arg10: memref<4096xf32, #tpu.memory_space<vmem>>, %arg11: memref<2048xf32, #tpu.memory_space<vmem>>, %arg12: memref<!tpu.dma_semaphore, #tpu.memory_space<semaphore_mem>>) attributes {dimension_semantics = [#tpu.dimension_semantics<core_parallel>, #tpu.dimension_semantics<subcore_parallel>], iteration_bounds = array<i64: 2, 16>, scalar_prefetch = 0 : i64, scratch_operands = 6 : i64, tpu.core_type = #tpu.core_type<sc_vector_subcore>, window_params = [{transform_indices = #map}, {transform_indices = #map}, {transform_indices = #map}, {transform_indices = #map}, {transform_indices = #map}]} {
    %mul3A = arith.constant 2 : i32
    %mul3A_0 = arith.muli %arg1, %mul3A : i32
    %add3A = arith.addi %mul3A_0, %arg0 : i32
    %mul3A_1 = arith.constant 512 : i32
    %mul3A_2 = arith.muli %add3A, %mul3A_1 : i32
    %dma_start3A = tpu.memref_slice %arg2[%mul3A_2] : memref<16384xi32, #tpu.memory_space<hbm>> -> memref<512xi32, #tpu.memory_space<hbm>>
    %dma_start3A_3 = tpu.memref_slice %arg2[%mul3A_2] : memref<16384xi32, #tpu.memory_space<hbm>> -> memref<512xi32, #tpu.memory_space<hbm>>
    tpu.enqueue_dma source(%dma_start3A_3 : memref<512xi32, #tpu.memory_space<hbm>>) target(%arg7 : memref<512xi32, #tpu.memory_space<vmem>>) target_semaphore(%arg12 : memref<!tpu.dma_semaphore, #tpu.memory_space<semaphore_mem>>)
    %dma_start3A_4 = tpu.memref_slice %arg3[%mul3A_2] : memref<16384xi32, #tpu.memory_space<hbm>> -> memref<512xi32, #tpu.memory_space<hbm>>
    %dma_start3A_5 = tpu.memref_slice %arg3[%mul3A_2] : memref<16384xi32, #tpu.memory_space<hbm>> -> memref<512xi32, #tpu.memory_space<hbm>>
    tpu.enqueue_dma source(%dma_start3A_5 : memref<512xi32, #tpu.memory_space<hbm>>) target(%arg8 : memref<512xi32, #tpu.memory_space<vmem>>) target_semaphore(%arg12 : memref<!tpu.dma_semaphore, #tpu.memory_space<semaphore_mem>>)
    tpu.enqueue_dma source(%arg4 : memref<464xf32, #tpu.memory_space<hbm>>) target(%arg9 : memref<464xf32, #tpu.memory_space<vmem>>) target_semaphore(%arg12 : memref<!tpu.dma_semaphore, #tpu.memory_space<semaphore_mem>>)
    %dma_wait3A = tpu.memref_slice %arg2[%mul3A_2] : memref<16384xi32, #tpu.memory_space<hbm>> -> memref<512xi32, #tpu.memory_space<hbm>>
    %dma_wait3A_6 = tpu.memref_slice %arg2[%mul3A_2] : memref<16384xi32, #tpu.memory_space<hbm>> -> memref<512xi32, #tpu.memory_space<hbm>>
    tpu.wait_dma2 semaphore(%arg12 : memref<!tpu.dma_semaphore, #tpu.memory_space<semaphore_mem>>) src(%dma_wait3A_6 : memref<512xi32, #tpu.memory_space<hbm>>) dst(%arg7 : memref<512xi32, #tpu.memory_space<vmem>>)
    %dma_wait3A_7 = tpu.memref_slice %arg3[%mul3A_2] : memref<16384xi32, #tpu.memory_space<hbm>> -> memref<512xi32, #tpu.memory_space<hbm>>
    %dma_wait3A_8 = tpu.memref_slice %arg3[%mul3A_2] : memref<16384xi32, #tpu.memory_space<hbm>> -> memref<512xi32, #tpu.memory_space<hbm>>
    tpu.wait_dma2 semaphore(%arg12 : memref<!tpu.dma_semaphore, #tpu.memory_space<semaphore_mem>>) src(%dma_wait3A_8 : memref<512xi32, #tpu.memory_space<hbm>>) dst(%arg8 : memref<512xi32, #tpu.memory_space<vmem>>)
    tpu.wait_dma2 semaphore(%arg12 : memref<!tpu.dma_semaphore, #tpu.memory_space<semaphore_mem>>) src(%arg4 : memref<464xf32, #tpu.memory_space<hbm>>) dst(%arg9 : memref<464xf32, #tpu.memory_space<vmem>>)
    %parallel_loop3A = arith.constant 0 : i32
    %parallel_loop3A_9 = arith.constant 32 : i32
    %parallel_loop3A_10 = arith.constant 1 : i32
    scf.for %parallel_loop3A_23 = %parallel_loop3A to %parallel_loop3A_9 step %parallel_loop3A_10  : i32 {
      %parallel_loop3A_24 = arith.constant 16 : i32
      %parallel_loop3A_25 = arith.muli %parallel_loop3A_23, %parallel_loop3A_24 : i32
      %parallel_loop3A_26 = arith.index_cast %parallel_loop3A_25 : i32 to index
      %parallel_loop3A_27 = tpu.vector_load %arg7[%parallel_loop3A_26] {strides = array<i32>} : memref<512xi32, #tpu.memory_space<vmem>>, vector<16xi32>,
      %parallel_loop3A_28 = arith.index_cast %parallel_loop3A_25 : i32 to index
      %parallel_loop3A_29 = tpu.vector_load %arg8[%parallel_loop3A_28] {strides = array<i32>} : memref<512xi32, #tpu.memory_space<vmem>>, vector<16xi32>,
      %parallel_loop3A_30 = arith.constant 128 : i32
      %parallel_loop3A_31 = arith.divsi %parallel_loop3A_25, %parallel_loop3A_30 : i32
      %parallel_loop3A_32 = arith.constant 0 : i32
      %parallel_loop3A_33 = arith.cmpi sgt, %parallel_loop3A_25, %parallel_loop3A_32 : i32
      %parallel_loop3A_34 = arith.extui %parallel_loop3A_33 : i1 to i32
      %parallel_loop3A_35 = arith.constant 0 : i32
      %parallel_loop3A_36 = arith.cmpi slt, %parallel_loop3A_25, %parallel_loop3A_35 : i32
      %parallel_loop3A_37 = arith.extui %parallel_loop3A_36 : i1 to i32
      %parallel_loop3A_38 = arith.subi %parallel_loop3A_34, %parallel_loop3A_37 : i32
      %parallel_loop3A_39 = arith.constant 0 : i32
      %parallel_loop3A_40 = arith.cmpi sgt, %parallel_loop3A_30, %parallel_loop3A_39 : i32
      %parallel_loop3A_41 = arith.extui %parallel_loop3A_40 : i1 to i32
      %parallel_loop3A_42 = arith.constant 0 : i32
      %parallel_loop3A_43 = arith.cmpi slt, %parallel_loop3A_30, %parallel_loop3A_42 : i32
      %parallel_loop3A_44 = arith.extui %parallel_loop3A_43 : i1 to i32
      %parallel_loop3A_45 = arith.subi %parallel_loop3A_41, %parallel_loop3A_44 : i32
      %parallel_loop3A_46 = arith.cmpi ne, %parallel_loop3A_38, %parallel_loop3A_45 : i32
      %parallel_loop3A_47 = arith.remsi %parallel_loop3A_25, %parallel_loop3A_30 : i32
      %parallel_loop3A_48 = arith.constant 0 : i32
      %parallel_loop3A_49 = arith.cmpi ne, %parallel_loop3A_47, %parallel_loop3A_48 : i32
      %parallel_loop3A_50 = arith.andi %parallel_loop3A_46, %parallel_loop3A_49 : i1
      %parallel_loop3A_51 = arith.constant 1 : i32
      %parallel_loop3A_52 = arith.subi %parallel_loop3A_31, %parallel_loop3A_51 : i32
      %parallel_loop3A_53 = arith.select %parallel_loop3A_50, %parallel_loop3A_52, %parallel_loop3A_31 : i32
      %parallel_loop3A_54 = arith.constant 128 : i32
      %parallel_loop3A_55 = arith.constant 0 : i32
      %parallel_loop3A_56 = arith.cmpi eq, %parallel_loop3A_54, %parallel_loop3A_55 : i32
      %parallel_loop3A_57 = arith.constant 1 : i32
      %parallel_loop3A_58 = arith.select %parallel_loop3A_56, %parallel_loop3A_57, %parallel_loop3A_54 : i32
      %parallel_loop3A_59 = arith.remsi %parallel_loop3A_25, %parallel_loop3A_58 : i32
      %parallel_loop3A_60 = arith.constant 0 : i32
      %parallel_loop3A_61 = arith.cmpi ne, %parallel_loop3A_59, %parallel_loop3A_60 : i32
      %parallel_loop3A_62 = arith.constant 0 : i32
      %parallel_loop3A_63 = arith.cmpi slt, %parallel_loop3A_59, %parallel_loop3A_62 : i32
      %parallel_loop3A_64 = arith.constant 0 : i32
      %parallel_loop3A_65 = arith.cmpi slt, %parallel_loop3A_58, %parallel_loop3A_64 : i32
      %parallel_loop3A_66 = arith.xori %parallel_loop3A_63, %parallel_loop3A_65 : i1
      %parallel_loop3A_67 = arith.andi %parallel_loop3A_66, %parallel_loop3A_61 : i1
      %parallel_loop3A_68 = arith.addi %parallel_loop3A_59, %parallel_loop3A_58 : i32
      %parallel_loop3A_69 = arith.select %parallel_loop3A_67, %parallel_loop3A_68, %parallel_loop3A_59 : i32
      %parallel_loop3A_70 = arith.constant 5 : i32
      %parallel_loop3A_71 = vector.broadcast %parallel_loop3A_70 : i32 to vector<16xi32>
      %parallel_loop3A_72 = arith.muli %parallel_loop3A_27, %parallel_loop3A_71 : vector<16xi32>
      %parallel_loop3A_73 = arith.constant 0 : i32
      %parallel_loop3A_74 = vector.broadcast %parallel_loop3A_73 : i32 to vector<16xi32>
      %parallel_loop3A_75 = arith.addi %parallel_loop3A_72, %parallel_loop3A_74 : vector<16xi32>
      %parallel_loop3A_76 = tpu.vector_load_idx %arg9[%parallel_loop3A_75] : memref<464xf32, #tpu.memory_space<vmem>>[vector<16xi32>], vector<16xf32>,
      %parallel_loop3A_77 = arith.constant 1024 : i32
      %parallel_loop3A_78 = arith.muli %parallel_loop3A_53, %parallel_loop3A_77 : i32
      %parallel_loop3A_79 = arith.constant 0 : i32
      %parallel_loop3A_80 = arith.addi %parallel_loop3A_78, %parallel_loop3A_79 : i32
      %parallel_loop3A_81 = arith.addi %parallel_loop3A_80, %parallel_loop3A_69 : i32
      %parallel_loop3A_82 = arith.index_cast %parallel_loop3A_81 : i32 to index
      %parallel_loop3A_83 = tpu.vector_load %arg10[%parallel_loop3A_82] {strides = array<i32>} : memref<4096xf32, #tpu.memory_space<vmem>>, vector<16xf32>,
      tpu.vector_store %arg10[%parallel_loop3A_82], %parallel_loop3A_76 {strides = array<i32>} : memref<4096xf32, #tpu.memory_space<vmem>>, vector<16xf32>,
      %parallel_loop3A_84 = arith.constant 5 : i32
      %parallel_loop3A_85 = vector.broadcast %parallel_loop3A_84 : i32 to vector<16xi32>
      %parallel_loop3A_86 = arith.muli %parallel_loop3A_27, %parallel_loop3A_85 : vector<16xi32>
      %parallel_loop3A_87 = arith.constant 1 : i32
      %parallel_loop3A_88 = vector.broadcast %parallel_loop3A_87 : i32 to vector<16xi32>
      %parallel_loop3A_89 = arith.addi %parallel_loop3A_86, %parallel_loop3A_88 : vector<16xi32>
      %parallel_loop3A_90 = tpu.vector_load_idx %arg9[%parallel_loop3A_89] : memref<464xf32, #tpu.memory_space<vmem>>[vector<16xi32>], vector<16xf32>,
      %parallel_loop3A_91 = arith.constant 1024 : i32
      %parallel_loop3A_92 = arith.muli %parallel_loop3A_53, %parallel_loop3A_91 : i32
      %parallel_loop3A_93 = arith.constant 128 : i32
      %parallel_loop3A_94 = arith.addi %parallel_loop3A_92, %parallel_loop3A_93 : i32
      %parallel_loop3A_95 = arith.addi %parallel_loop3A_94, %parallel_loop3A_69 : i32
      %parallel_loop3A_96 = arith.index_cast %parallel_loop3A_95 : i32 to index
      %parallel_loop3A_97 = tpu.vector_load %arg10[%parallel_loop3A_96] {strides = array<i32>} : memref<4096xf32, #tpu.memory_space<vmem>>, vector<16xf32>,
      tpu.vector_store %arg10[%parallel_loop3A_96], %parallel_loop3A_90 {strides = array<i32>} : memref<4096xf32, #tpu.memory_space<vmem>>, vector<16xf32>,
      %parallel_loop3A_98 = arith.constant 5 : i32
      %parallel_loop3A_99 = vector.broadcast %parallel_loop3A_98 : i32 to vector<16xi32>
      %parallel_loop3A_100 = arith.muli %parallel_loop3A_27, %parallel_loop3A_99 : vector<16xi32>
      %parallel_loop3A_101 = arith.constant 2 : i32
      %parallel_loop3A_102 = vector.broadcast %parallel_loop3A_101 : i32 to vector<16xi32>
      %parallel_loop3A_103 = arith.addi %parallel_loop3A_100, %parallel_loop3A_102 : vector<16xi32>
      %parallel_loop3A_104 = tpu.vector_load_idx %arg9[%parallel_loop3A_103] : memref<464xf32, #tpu.memory_space<vmem>>[vector<16xi32>], vector<16xf32>,
      %parallel_loop3A_105 = arith.constant 1024 : i32
      %parallel_loop3A_106 = arith.muli %parallel_loop3A_53, %parallel_loop3A_105 : i32
      %parallel_loop3A_107 = arith.constant 256 : i32
      %parallel_loop3A_108 = arith.addi %parallel_loop3A_106, %parallel_loop3A_107 : i32
      %parallel_loop3A_109 = arith.addi %parallel_loop3A_108, %parallel_loop3A_69 : i32
      %parallel_loop3A_110 = arith.index_cast %parallel_loop3A_109 : i32 to index
      %parallel_loop3A_111 = tpu.vector_load %arg10[%parallel_loop3A_110] {strides = array<i32>} : memref<4096xf32, #tpu.memory_space<vmem>>, vector<16xf32>,
      tpu.vector_store %arg10[%parallel_loop3A_110], %parallel_loop3A_104 {strides = array<i32>} : memref<4096xf32, #tpu.memory_space<vmem>>, vector<16xf32>,
      %parallel_loop3A_112 = arith.constant 5 : i32
      %parallel_loop3A_113 = vector.broadcast %parallel_loop3A_112 : i32 to vector<16xi32>
      %parallel_loop3A_114 = arith.muli %parallel_loop3A_27, %parallel_loop3A_113 : vector<16xi32>
      %parallel_loop3A_115 = arith.constant 3 : i32
      %parallel_loop3A_116 = vector.broadcast %parallel_loop3A_115 : i32 to vector<16xi32>
      %parallel_loop3A_117 = arith.addi %parallel_loop3A_114, %parallel_loop3A_116 : vector<16xi32>
      %parallel_loop3A_118 = tpu.vector_load_idx %arg9[%parallel_loop3A_117] : memref<464xf32, #tpu.memory_space<vmem>>[vector<16xi32>], vector<16xf32>,
      %parallel_loop3A_119 = arith.constant 1024 : i32
      %parallel_loop3A_120 = arith.muli %parallel_loop3A_53, %parallel_loop3A_119 : i32
      %parallel_loop3A_121 = arith.constant 384 : i32
      %parallel_loop3A_122 = arith.addi %parallel_loop3A_120, %parallel_loop3A_121 : i32
      %parallel_loop3A_123 = arith.addi %parallel_loop3A_122, %parallel_loop3A_69 : i32
      %parallel_loop3A_124 = arith.index_cast %parallel_loop3A_123 : i32 to index
      %parallel_loop3A_125 = tpu.vector_load %arg10[%parallel_loop3A_124] {strides = array<i32>} : memref<4096xf32, #tpu.memory_space<vmem>>, vector<16xf32>,
      tpu.vector_store %arg10[%parallel_loop3A_124], %parallel_loop3A_118 {strides = array<i32>} : memref<4096xf32, #tpu.memory_space<vmem>>, vector<16xf32>,
      %parallel_loop3A_126 = arith.constant 5 : i32
      %parallel_loop3A_127 = vector.broadcast %parallel_loop3A_126 : i32 to vector<16xi32>
      %parallel_loop3A_128 = arith.muli %parallel_loop3A_27, %parallel_loop3A_127 : vector<16xi32>
      %parallel_loop3A_129 = arith.constant 4 : i32
      %parallel_loop3A_130 = vector.broadcast %parallel_loop3A_129 : i32 to vector<16xi32>
      %parallel_loop3A_131 = arith.addi %parallel_loop3A_128, %parallel_loop3A_130 : vector<16xi32>
      %parallel_loop3A_132 = tpu.vector_load_idx %arg9[%parallel_loop3A_131] : memref<464xf32, #tpu.memory_space<vmem>>[vector<16xi32>], vector<16xf32>,
      %parallel_loop3A_133 = arith.constant 1024 : i32
      %parallel_loop3A_134 = arith.muli %parallel_loop3A_53, %parallel_loop3A_133 : i32
      %parallel_loop3A_135 = arith.constant 512 : i32
      %parallel_loop3A_136 = arith.addi %parallel_loop3A_134, %parallel_loop3A_135 : i32
      %parallel_loop3A_137 = arith.addi %parallel_loop3A_136, %parallel_loop3A_69 : i32
      %parallel_loop3A_138 = arith.index_cast %parallel_loop3A_137 : i32 to index
      %parallel_loop3A_139 = tpu.vector_load %arg10[%parallel_loop3A_138] {strides = array<i32>} : memref<4096xf32, #tpu.memory_space<vmem>>, vector<16xf32>,
      tpu.vector_store %arg10[%parallel_loop3A_138], %parallel_loop3A_132 {strides = array<i32>} : memref<4096xf32, #tpu.memory_space<vmem>>, vector<16xf32>,
      %parallel_loop3A_140 = arith.constant 3 : i32
      %parallel_loop3A_141 = vector.broadcast %parallel_loop3A_140 : i32 to vector<16xi32>
      %parallel_loop3A_142 = arith.muli %parallel_loop3A_29, %parallel_loop3A_141 : vector<16xi32>
      %parallel_loop3A_143 = arith.constant 400 : i32
      %parallel_loop3A_144 = vector.broadcast %parallel_loop3A_143 : i32 to vector<16xi32>
      %parallel_loop3A_145 = arith.addi %parallel_loop3A_144, %parallel_loop3A_142 : vector<16xi32>
      %parallel_loop3A_146 = arith.constant 0 : i32
      %parallel_loop3A_147 = vector.broadcast %parallel_loop3A_146 : i32 to vector<16xi32>
      %parallel_loop3A_148 = arith.addi %parallel_loop3A_145, %parallel_loop3A_147 : vector<16xi32>
      %parallel_loop3A_149 = tpu.vector_load_idx %arg9[%parallel_loop3A_148] : memref<464xf32, #tpu.memory_space<vmem>>[vector<16xi32>], vector<16xf32>,
      %parallel_loop3A_150 = arith.constant 512 : i32
      %parallel_loop3A_151 = arith.muli %parallel_loop3A_53, %parallel_loop3A_150 : i32
      %parallel_loop3A_152 = arith.constant 0 : i32
      %parallel_loop3A_153 = arith.addi %parallel_loop3A_151, %parallel_loop3A_152 : i32
      %parallel_loop3A_154 = arith.addi %parallel_loop3A_153, %parallel_loop3A_69 : i32
      %parallel_loop3A_155 = arith.index_cast %parallel_loop3A_154 : i32 to index
      %parallel_loop3A_156 = tpu.vector_load %arg11[%parallel_loop3A_155] {strides = array<i32>} : memref<2048xf32, #tpu.memory_space<vmem>>, vector<16xf32>,
      tpu.vector_store %arg11[%parallel_loop3A_155], %parallel_loop3A_149 {strides = array<i32>} : memref<2048xf32, #tpu.memory_space<vmem>>, vector<16xf32>,
      %parallel_loop3A_157 = arith.constant 3 : i32
      %parallel_loop3A_158 = vector.broadcast %parallel_loop3A_157 : i32 to vector<16xi32>
      %parallel_loop3A_159 = arith.muli %parallel_loop3A_29, %parallel_loop3A_158 : vector<16xi32>
      %parallel_loop3A_160 = arith.constant 400 : i32
      %parallel_loop3A_161 = vector.broadcast %parallel_loop3A_160 : i32 to vector<16xi32>
      %parallel_loop3A_162 = arith.addi %parallel_loop3A_161, %parallel_loop3A_159 : vector<16xi32>
      %parallel_loop3A_163 = arith.constant 1 : i32
      %parallel_loop3A_164 = vector.broadcast %parallel_loop3A_163 : i32 to vector<16xi32>
      %parallel_loop3A_165 = arith.addi %parallel_loop3A_162, %parallel_loop3A_164 : vector<16xi32>
      %parallel_loop3A_166 = tpu.vector_load_idx %arg9[%parallel_loop3A_165] : memref<464xf32, #tpu.memory_space<vmem>>[vector<16xi32>], vector<16xf32>,
      %parallel_loop3A_167 = arith.constant 512 : i32
      %parallel_loop3A_168 = arith.muli %parallel_loop3A_53, %parallel_loop3A_167 : i32
      %parallel_loop3A_169 = arith.constant 128 : i32
      %parallel_loop3A_170 = arith.addi %parallel_loop3A_168, %parallel_loop3A_169 : i32
      %parallel_loop3A_171 = arith.addi %parallel_loop3A_170, %parallel_loop3A_69 : i32
      %parallel_loop3A_172 = arith.index_cast %parallel_loop3A_171 : i32 to index
      %parallel_loop3A_173 = tpu.vector_load %arg11[%parallel_loop3A_172] {strides = array<i32>} : memref<2048xf32, #tpu.memory_space<vmem>>, vector<16xf32>,
      tpu.vector_store %arg11[%parallel_loop3A_172], %parallel_loop3A_166 {strides = array<i32>} : memref<2048xf32, #tpu.memory_space<vmem>>, vector<16xf32>,
      %parallel_loop3A_174 = arith.constant 3 : i32
      %parallel_loop3A_175 = vector.broadcast %parallel_loop3A_174 : i32 to vector<16xi32>
      %parallel_loop3A_176 = arith.muli %parallel_loop3A_29, %parallel_loop3A_175 : vector<16xi32>
      %parallel_loop3A_177 = arith.constant 400 : i32
      %parallel_loop3A_178 = vector.broadcast %parallel_loop3A_177 : i32 to vector<16xi32>
      %parallel_loop3A_179 = arith.addi %parallel_loop3A_178, %parallel_loop3A_176 : vector<16xi32>
      %parallel_loop3A_180 = arith.constant 2 : i32
      %parallel_loop3A_181 = vector.broadcast %parallel_loop3A_180 : i32 to vector<16xi32>
      %parallel_loop3A_182 = arith.addi %parallel_loop3A_179, %parallel_loop3A_181 : vector<16xi32>
      %parallel_loop3A_183 = tpu.vector_load_idx %arg9[%parallel_loop3A_182] : memref<464xf32, #tpu.memory_space<vmem>>[vector<16xi32>], vector<16xf32>,
      %parallel_loop3A_184 = arith.constant 512 : i32
      %parallel_loop3A_185 = arith.muli %parallel_loop3A_53, %parallel_loop3A_184 : i32
      %parallel_loop3A_186 = arith.constant 256 : i32
      %parallel_loop3A_187 = arith.addi %parallel_loop3A_185, %parallel_loop3A_186 : i32
      %parallel_loop3A_188 = arith.addi %parallel_loop3A_187, %parallel_loop3A_69 : i32
      %parallel_loop3A_189 = arith.index_cast %parallel_loop3A_188 : i32 to index
      %parallel_loop3A_190 = tpu.vector_load %arg11[%parallel_loop3A_189] {strides = array<i32>} : memref<2048xf32, #tpu.memory_space<vmem>>, vector<16xf32>,
      tpu.vector_store %arg11[%parallel_loop3A_189], %parallel_loop3A_183 {strides = array<i32>} : memref<2048xf32, #tpu.memory_space<vmem>>, vector<16xf32>,
    } {sc.loop_unroll_factor = 2 : i64, sc.parallel_access}
    %mul3A_11 = arith.constant 8 : i32
    %mul3A_12 = arith.muli %mul3A_11, %mul3A_2 : i32
    %dma_start3A_13 = tpu.memref_slice %arg5[%mul3A_12] : memref<131072xf32, #tpu.memory_space<hbm>> -> memref<4096xf32, #tpu.memory_space<hbm>>
    %dma_start3A_14 = tpu.memref_slice %arg5[%mul3A_12] : memref<131072xf32, #tpu.memory_space<hbm>> -> memref<4096xf32, #tpu.memory_space<hbm>>
    tpu.enqueue_dma source(%arg10 : memref<4096xf32, #tpu.memory_space<vmem>>) target(%dma_start3A_14 : memref<4096xf32, #tpu.memory_space<hbm>>) target_semaphore(%arg12 : memref<!tpu.dma_semaphore, #tpu.memory_space<semaphore_mem>>)
    %mul3A_15 = arith.constant 4 : i32
    %mul3A_16 = arith.muli %mul3A_15, %mul3A_2 : i32
    %dma_start3A_17 = tpu.memref_slice %arg6[%mul3A_16] : memref<65536xf32, #tpu.memory_space<hbm>> -> memref<2048xf32, #tpu.memory_space<hbm>>
    %dma_start3A_18 = tpu.memref_slice %arg6[%mul3A_16] : memref<65536xf32, #tpu.memory_space<hbm>> -> memref<2048xf32, #tpu.memory_space<hbm>>
    tpu.enqueue_dma source(%arg11 : memref<2048xf32, #tpu.memory_space<vmem>>) target(%dma_start3A_18 : memref<2048xf32, #tpu.memory_space<hbm>>) target_semaphore(%arg12 : memref<!tpu.dma_semaphore, #tpu.memory_space<semaphore_mem>>)
    %dma_wait3A_19 = tpu.memref_slice %arg5[%mul3A_12] : memref<131072xf32, #tpu.memory_space<hbm>> -> memref<4096xf32, #tpu.memory_space<hbm>>
    %dma_wait3A_20 = tpu.memref_slice %arg5[%mul3A_12] : memref<131072xf32, #tpu.memory_space<hbm>> -> memref<4096xf32, #tpu.memory_space<hbm>>
    tpu.wait_dma2 semaphore(%arg12 : memref<!tpu.dma_semaphore, #tpu.memory_space<semaphore_mem>>) src(%arg10 : memref<4096xf32, #tpu.memory_space<vmem>>) dst(%dma_wait3A_20 : memref<4096xf32, #tpu.memory_space<hbm>>)
    %dma_wait3A_21 = tpu.memref_slice %arg6[%mul3A_16] : memref<65536xf32, #tpu.memory_space<hbm>> -> memref<2048xf32, #tpu.memory_space<hbm>>
    %dma_wait3A_22 = tpu.memref_slice %arg6[%mul3A_16] : memref<65536xf32, #tpu.memory_space<hbm>> -> memref<2048xf32, #tpu.memory_space<hbm>>
    tpu.wait_dma2 semaphore(%arg12 : memref<!tpu.dma_semaphore, #tpu.memory_space<semaphore_mem>>) src(%arg11 : memref<2048xf32, #tpu.memory_space<vmem>>) dst(%dma_wait3A_22 : memref<2048xf32, #tpu.memory_space<hbm>>)
    return
  }
}

module attributes {stable_mosaic.version = 14 : i64} {
  func.func @_tc_stats(%arg0: memref<256x128xf32, #tpu.memory_space<vmem>>, %arg1: memref<2x2xf32, #tpu.memory_space<smem>>, %arg2: memref<2xf32, #tpu.memory_space<smem>>, %arg3: memref<256x128xf32, #tpu.memory_space<vmem>>) attributes {dimension_semantics = [], scalar_prefetch = 0 : i64, scratch_operands = 0 : i64, tpu.core_type = #tpu.core_type<tc>} {
    %get3A = arith.constant 0 : index
    %get3A_0 = arith.constant 0 : index
    %get3A_1 = vector.load %arg0[%get3A, %get3A_0] : memref<256x128xf32, #tpu.memory_space<vmem>>, vector<256x128xf32>
    %slice3A = vector.extract_strided_slice %get3A_1 {offsets = [1, 0], sizes = [255, 128], strides = [1, 1]} : vector<256x128xf32> to vector<255x128xf32>
    %slice3A_2 = vector.extract_strided_slice %get3A_1 {offsets = [0, 0], sizes = [1, 128], strides = [1, 1]} : vector<256x128xf32> to vector<1x128xf32>
    %concatenate3A = tpu.concatenate %slice3A, %slice3A_2 in 0 : vector<255x128xf32>, vector<1x128xf32> -> vector<256x128xf32>
    %slice3A_3 = vector.extract_strided_slice %get3A_1 {offsets = [255, 0], sizes = [1, 128], strides = [1, 1]} : vector<256x128xf32> to vector<1x128xf32>
    %slice3A_4 = vector.extract_strided_slice %get3A_1 {offsets = [0, 0], sizes = [255, 128], strides = [1, 1]} : vector<256x128xf32> to vector<255x128xf32>
    %concatenate3A_5 = tpu.concatenate %slice3A_3, %slice3A_4 in 0 : vector<1x128xf32>, vector<255x128xf32> -> vector<256x128xf32>
    %get3A_6 = arith.constant 0 : index
    %get3A_7 = arith.constant 0 : index
    %get3A_8 = memref.load %arg1[%get3A_6, %get3A_7] : memref<2x2xf32, #tpu.memory_space<smem>>
    %get3A_9 = arith.constant 0 : index
    %get3A_10 = arith.constant 1 : index
    %get3A_11 = memref.load %arg1[%get3A_9, %get3A_10] : memref<2x2xf32, #tpu.memory_space<smem>>
    %get3A_12 = arith.constant 1 : index
    %get3A_13 = arith.constant 0 : index
    %get3A_14 = memref.load %arg1[%get3A_12, %get3A_13] : memref<2x2xf32, #tpu.memory_space<smem>>
    %get3A_15 = arith.constant 1 : index
    %get3A_16 = arith.constant 1 : index
    %get3A_17 = memref.load %arg1[%get3A_15, %get3A_16] : memref<2x2xf32, #tpu.memory_space<smem>>
    %get3A_18 = arith.constant 0 : index
    %get3A_19 = memref.load %arg2[%get3A_18] : memref<2xf32, #tpu.memory_space<smem>>
    %get3A_20 = arith.constant 1 : index
    %get3A_21 = memref.load %arg2[%get3A_20] : memref<2xf32, #tpu.memory_space<smem>>
    %iota3A = tpu.iota {dimensions = array<i32: 0>} : vector<256x128xi32>
    %jit3A = arith.constant 2 : i32
    %eq3A = arith.constant 0 : i32
    %eq3A_22 = arith.cmpi eq, %jit3A, %eq3A : i32
    %jit3A_23 = arith.constant 1 : i32
    %select_n3A = arith.select %eq3A_22, %jit3A_23, %jit3A : i32
    %rem3A = vector.broadcast %select_n3A : i32 to vector<256x128xi32>
    %rem3A_24 = arith.remsi %iota3A, %rem3A : vector<256x128xi32>
    %ne3A = arith.constant 0 : i32
    %ne3A_25 = vector.broadcast %ne3A : i32 to vector<256x128xi32>
    %ne3A_26 = arith.cmpi ne, %rem3A_24, %ne3A_25 : vector<256x128xi32>
    %lt3A = arith.constant 0 : i32
    %lt3A_27 = vector.broadcast %lt3A : i32 to vector<256x128xi32>
    %lt3A_28 = arith.cmpi slt, %rem3A_24, %lt3A_27 : vector<256x128xi32>
    %lt3A_29 = arith.constant 0 : i32
    %lt3A_30 = arith.cmpi slt, %select_n3A, %lt3A_29 : i32
    %ne3A_31 = vector.broadcast %lt3A_30 : i1 to vector<256x128xi1>
    %ne3A_32 = vector.broadcast %ne3A_31 : vector<256x128xi1> to vector<256x128xi1>
    %ne3A_33 = arith.xori %lt3A_28, %ne3A_32 : vector<256x128xi1>
    %and3A = arith.andi %ne3A_33, %ne3A_26 : vector<256x128xi1>
    %add3A = vector.broadcast %select_n3A : i32 to vector<256x128xi32>
    %add3A_34 = arith.addi %rem3A_24, %add3A : vector<256x128xi32>
    %select_n3A_35 = arith.select %and3A, %add3A_34, %rem3A_24 : vector<256x128xi1>, vector<256x128xi32>
    %eq3A_36 = arith.constant 0 : i32
    %eq3A_37 = vector.broadcast %eq3A_36 : i32 to vector<256x128xi32>
    %eq3A_38 = arith.cmpi eq, %select_n3A_35, %eq3A_37 : vector<256x128xi32>
    %mul3A = vector.broadcast %get3A_8 : f32 to vector<256x128xf32>
    %mul3A_39 = arith.mulf %get3A_1, %mul3A : vector<256x128xf32>
    %mul3A_40 = vector.broadcast %get3A_11 : f32 to vector<256x128xf32>
    %mul3A_41 = arith.mulf %concatenate3A, %mul3A_40 : vector<256x128xf32>
    %add3A_42 = arith.addf %mul3A_39, %mul3A_41 : vector<256x128xf32>
    %add3A_43 = vector.broadcast %get3A_19 : f32 to vector<256x128xf32>
    %add3A_44 = arith.addf %add3A_42, %add3A_43 : vector<256x128xf32>
    %mul3A_45 = vector.broadcast %get3A_14 : f32 to vector<256x128xf32>
    %mul3A_46 = arith.mulf %concatenate3A_5, %mul3A_45 : vector<256x128xf32>
    %mul3A_47 = vector.broadcast %get3A_17 : f32 to vector<256x128xf32>
    %mul3A_48 = arith.mulf %get3A_1, %mul3A_47 : vector<256x128xf32>
    %add3A_49 = arith.addf %mul3A_46, %mul3A_48 : vector<256x128xf32>
    %add3A_50 = vector.broadcast %get3A_21 : f32 to vector<256x128xf32>
    %add3A_51 = arith.addf %add3A_49, %add3A_50 : vector<256x128xf32>
    %select_n3A_52 = arith.select %eq3A_38, %add3A_44, %add3A_51 : vector<256x128xi1>, vector<256x128xf32>
    %swap3A = arith.constant 0 : index
    %swap3A_53 = arith.constant 0 : index
    %swap3A_54 = vector.load %arg3[%swap3A, %swap3A_53] : memref<256x128xf32, #tpu.memory_space<vmem>>, vector<256x128xf32>
    tpu.vector_store %arg3[%swap3A, %swap3A_53], %select_n3A_52 {strides = array<i32>} : memref<256x128xf32, #tpu.memory_space<vmem>>, vector<256x128xf32>,
    return
  }
}

</mosaic_0001>

<sc_bundles>
// kernel: kernel.4.cloned.1.call-start
scs
__scs_entry_jumppad:
0x0: {  	(pc) =	sbr.rel $0x88, $3  }
0x1: {  	(tag) =	ssettag $0x0;
	lr =	simm.s32 $0x1  }
0x2: {  	[smem:$0x3F9A] =	sst lr;
	_ =	strace $0xD0000000  }
0x3: {  	_ = 	snop  }
0x4: {  	_ = 	snop  }
0x5: {  	_ = 	snop  }
0x6: {  	_ = 	snop  }
0x7: {  	_ = 	snop  }
__scs_overlays_trampoline_lowered:
0x8: {  	[smem:$0x3FA9] =	sst s0  }
0x9: {  	[smem:$0x3FAA] =	sst s1  }
0xa: {  	[smem:$0x3FAB] =	sst s2  }
0xb: {  	[smem:$0x3FAC] =	sst s3  }
0xc: {  	[smem:$0x3FAD] =	sst s4  }
0xd: {  	[smem:$0x3FAE] =	sst s5  }
0xe: {  	[smem:$0x3FAF] =	sst s6  }
0xf: {  	[smem:$0x3FB0] =	sst s7  }
0x10: {  	[smem:$0x3FB1] =	sst s8  }
0x11: {  	[smem:$0x3FB2] =	sst s9;
	s0 =	simm.s32 @!p0 $0x0  }
0x12: {  	s1 =	sld [smem:$0x3F98];
	s0 =	simm.s32 @p0 $0x1  }
0x13: {  	[smem:$0x3FB3] =	sst s0;
	s0 =	simm.s32 @!p1 $0x0  }
0x14: {  	s2 =	sld [smem:$0x3F97];
	s0 =	simm.s32 @p1 $0x1  }
0x15: {  	[smem:$0x3FB4] =	sst s0;
	s0 =	simm.s32 @!p2 $0x0  }
0x16: {  	s3 =	sld [smem:$0x3FDB];
	s0 =	simm.s32 @p2 $0x1  }
0x17: {  	s4 =	simm.s32 $0x1BF5;
	[smem:$0x3FB6] =	sst s0  }
0x18: {  	s0 =	sld [smem:$0x3F99];
	_ =	swait.ge [sflag:s4], $0x0  }
0x19: {  	s7 =	sld [smem:$0x3F9A]  }
0x1a: {  	s8 =	sadd.s32 $0xFFFFE003, lr  }
0x1b: {  	s9 =	sadd.s32 $0xFFFFFEF7, lr;
	s5 =	simm.s32 $0xFFFFFFFF;
	p2 =	slt.u32 s8, $0xFFFFF086  }
0x1c: {  	p1 =	slt.u32 s9, $0xF7A;
	s5 =	simm.s32 @!p2 $0x0  }
0x1d: {  	s5 =	simm.s32 @p1 $0x1;
	p0 =	seq.s32 s7, s2  }
0x1e: {  	s7 =	smul.u32 @!p0 $0xF7A, s2;
	p2 =	seq.s32 @!p0 s5, $0x0  }
0x1f: {  	s9 =	smul.u32 $0xF7A, s1;
	s8 =	simm.s32 @!p0 $0x1BF5;
	p2 =	por !p2, p0  }
0x20: {  	[sflag:s8] =	ssyncset.s32 @!p0 $0xFFFFF086;
	s6 =	sadd.s32 @!p0 s3, s7;
	s7 =	simm.s32 @!p0 $0x108  }
0x21: {  	s3 =	sadd.s32 s3, s9;
	s6 =	sadd.s32 @!p0 $0x88, s6;
	s7 =	simm.s32 @p2 $0x1082  }
0x22: {  	[simem:s7], [sflag:s8] =	dma.local @!p0 [hbm:s6], $0xF7A  }
0x23: {  	s9 =	sor.u32 $0xD0000000, s2;
	s6 =	simm.s32 $0x108;
	_ =	swait.ge @!p0 [sflag:s8], $0x0  }
0x24: {  	s3 =	sadd.s32 $0x88, s3;
	s6 =	simm.s32 @!p1 $0x1082;
	[sflag:s4] =	ssyncset.s32 $0xFFFFF086  }
0x25: {  	[simem:s6], [sflag:s4] =	dma.local [hbm:s3], $0xF7A  }
0x26: {  	[smem:$0x3F9A] =	sst s1;
	(tag) =	ssettag s2;
	_ =	strace s9  }
0x27: {  	s1 =	sld [smem:$0x3FAA]  }
0x28: {  	s2 =	sld [smem:$0x3FAB]  }
0x29: {  	s4 =	sld [smem:$0x3FAD]  }
0x2a: {  	p0 =	seq.s32 s5, $0x0;
	s5 =	sld [smem:$0x3FAE]  }
0x2b: {  	s6 =	sld [smem:$0x3FAF]  }
0x2c: {  	s7 =	sld [smem:$0x3FB0]  }
0x2d: {  	s3 =	simm.s32 $0x108;
	s8 =	sld [smem:$0x3FB1]  }
0x2e: {  	s3 =	simm.s32 @!p0 $0x1082;
	s9 =	sld [smem:$0x3FB2]  }
0x2f: {  	lr =	sadd.s32 s0, s3;
	s0 =	sld [smem:$0x3FA9]  }
0x30: {  	s3 =	sld [smem:$0x3FAC]  }
0x31: {  	[smem:$0x3FB5] =	sst s10  }
0x32: {  	s10 =	sld [smem:$0x3FB3];
	_ =	sdelay $0x3  }
0x33: {  	p0 =	seq.s32 s10, $0x1;
	s10 =	sld [smem:$0x3FB5];
	_ =	sdelay $0x3  }
0x34: {  	[smem:$0x3FB5] =	sst s10  }
0x35: {  	s10 =	sld [smem:$0x3FB4];
	_ =	sdelay $0x3  }
0x36: {  	p1 =	seq.s32 s10, $0x1;
	s10 =	sld [smem:$0x3FB5];
	_ =	sdelay $0x3  }
0x37: {  	[smem:$0x3FB5] =	sst s10  }
0x38: {  	s10 =	sld [smem:$0x3FB6]  }
0x39: {  	_ = 	snop;
	(pc) =	sbr.ind lr, $3  }
0x3a: {  	_ = 	snop  }
0x3b: {  	_ = 	snop  }
0x3c: {  	p2 =	seq.s32 s10, $0x1;
	s10 =	sld [smem:$0x3FB5]  }
0x3d: {  	_ =	shalt  }
0x3e: {  	_ =	shalt  }
0x3f: {  	_ =	shalt  }
0x40: {  	_ =	shalt  }
0x41: {  	_ =	shalt  }
0x42: {  	_ =	shalt  }
0x43: {  	_ =	shalt  }
0x44: {  	_ =	shalt  }
0x45: {  	_ =	shalt  }
0x46: {  	_ =	shalt  }
0x47: {  	_ =	shalt  }
0x48: {  	_ =	shalt  }
0x49: {  	_ =	shalt  }
0x4a: {  	_ =	shalt  }
0x4b: {  	_ =	shalt  }
0x4c: {  	_ =	shalt  }
0x4d: {  	_ =	shalt  }
0x4e: {  	_ =	shalt  }
0x4f: {  	_ =	shalt  }
0x50: {  	_ =	shalt  }
0x51: {  	_ =	shalt  }
0x52: {  	_ =	shalt  }
0x53: {  	_ =	shalt  }
0x54: {  	_ =	shalt  }
0x55: {  	_ =	shalt  }
0x56: {  	_ =	shalt  }
0x57: {  	_ =	shalt  }
0x58: {  	_ =	shalt  }
0x59: {  	_ =	shalt  }
0x5a: {  	_ =	shalt  }
0x5b: {  	_ =	shalt  }
0x5c: {  	_ =	shalt  }
0x5d: {  	_ =	shalt  }
0x5e: {  	_ =	shalt  }
0x5f: {  	_ =	shalt  }
0x60: {  	_ =	shalt  }
0x61: {  	_ =	shalt  }
0x62: {  	_ =	shalt  }
0x63: {  	_ =	shalt  }
0x64: {  	_ =	shalt  }
0x65: {  	_ =	shalt  }
0x66: {  	_ =	shalt  }
0x67: {  	_ =	shalt  }
0x68: {  	_ =	shalt  }
0x69: {  	_ =	shalt  }
0x6a: {  	_ =	shalt  }
0x6b: {  	_ =	shalt  }
0x6c: {  	_ =	shalt  }
0x6d: {  	_ =	shalt  }
0x6e: {  	_ =	shalt  }
0x6f: {  	_ =	shalt  }
0x70: {  	_ =	shalt  }
0x71: {  	_ =	shalt  }
0x72: {  	_ =	shalt  }
0x73: {  	_ =	shalt  }
0x74: {  	_ =	shalt  }
0x75: {  	_ =	shalt  }
0x76: {  	_ =	shalt  }
0x77: {  	_ =	shalt  }
0x78: {  	_ =	shalt  }
0x79: {  	_ =	shalt  }
0x7a: {  	_ =	shalt  }
0x7b: {  	_ =	shalt  }
0x7c: {  	_ =	shalt  }
0x7d: {  	_ =	shalt  }
0x7e: {  	_ =	shalt  }
0x7f: {  	_ =	shalt  }
0x80: {  	_ =	shalt  }
0x81: {  	_ =	shalt  }
0x82: {  	_ =	shalt  }
0x83: {  	_ =	shalt  }
0x84: {  	_ =	shalt  }
0x85: {  	_ =	shalt  }
0x86: {  	_ =	shalt  }
0x87: {  	_ =	shalt  }
.Lfunc_end0:
.L_simem_size_0:
called_computation_lowered:
.L_overlay_start_0:
0x88: {  	s2 =	sld [smem:$0x3FD9]  }
0x89: {  	s3 =	sld [smem:$0x3FFE];
	_ =	sdelay $0x1  }
0x8a: {  	s1 =	srdreg.scid  }
0x8b: {  	s0 =	sand.u32 $0x1, s1  }
0x8c: {  	s14 =	sshll.u32 s0, $0xA;
	s2 =	sadd.s32 s3, s2  }
0x8d: {  	s2 =	sadd.s32 s2, s14  }
0x8e: {  	[smem:$0x3FC1] =	sst s2  }
0x8f: {  	_ = 	snop  }
0x90: {  	s2 =	sld [smem:$0x3FD0];
	_ =	sdelay $0x1  }
0x91: {  	s15 =	sld [smem:$0x3FC9]  }
0x92: {  	s5 =	simm.s32 $0xA;
	s6 =	simm.s32 $0x10;
	s4 =	sld [smem:$0x3FC8]  }
0x93: {  	[smem:s6], [sflag:s5] =	dma.local [hbm:s2], $0x1  }
0x94: {  	_ =	swait.eq [sflag:s5], $0x1  }
0x95: {  	[sflag:s5] =	ssyncset.done $0x0  }
0x96: {  	s16 =	sld [smem:$0x10];
	[sflag:s5] =	ssyncadd.s32 $0xFFFFFFFF  }
0x97: {  	s17 =	sld [smem:$0x11];
	(tm) =	ssettm $0x1  }
0x98: {  	s18 =	sld [smem:$0x3FFB];
	_ =	sdelay $0x3  }
0x99: {  	_ =	strace s18  }
0x9a: {  	s6 =	sld [smem:$0x3FFC];
	_ =	sdelay $0x3  }
0x9b: {  	_ =	strace s6  }
0x9c: {  	s6 =	sld [smem:$0x3FFD];
	_ =	sdelay $0x3  }
0x9d: {  	_ =	strace s6  }
0x9e: {  	_ =	strace $0x8FFFFFFF  }
0x9f: {  	s19 =	sld [smem:$0x3FDB];
	_ =	sdelay $0x1  }
0xa0: {  	s7 =	simm.s32 $_scs_section_size  }
0xa1: {  	s8 =	simm.s32 $_size__tile_overlayer_lowered;
	s9 =	simm.s32 $_tile_overlayer_lowered  }
0xa2: {  	s22 =	simm.s32 $0x1BFF;
	s21 =	sshll.u32 s9, $0x1;
	s6 =	sadd.s32 s7, s19  }
0xa3: {  	s10 =	simm.s32 $0x0;
	s20 =	sshll.u32 s8, $0x1;
	s8 =	sadd.s32 s21, s6  }
0xa4: {  	[timem:s10], [sflag:s22] =	dma.local [hbm:s8], s20  }
0xa5: {  	_ =	swait.ge [sflag:s22], s20  }
0xa6: {  	s7 =	ssub.s32 $0x0, s20;
	[sflag:s22] =	ssyncset.done $0x0  }
0xa7: {  	[sflag:s22] =	ssyncadd.s32 s7;
	_ =	sdelay $0x1  }
0xa8: {  	s23 =	simm.s32 $0x1B8B  }
0xa9: {  	_ =	swait.ge [sflag:s23], $0x1  }
0xaa: {  	[sflag:s23] =	ssyncset.done $0x0  }
0xab: {  	s25 =	simm.s32 $0x1B8E;
	s24 =	sld [smem:$0x3FFE];
	[sflag:s23] =	ssyncadd.s32 $0xFFFFFFFF  }
0xac: {  	s26 =	simm.s32 $execute0_lowered;
	[smem:$0x3FD2] =	sst s25  }
0xad: {  	s8 =	sshll.u32 s26, $0x1;
	_ =	strace $0x80000046;
	[dreg:$0x1] =	wrdreg $0xFFFFFFFF  }
0xae: {  	s28 =	simm.s32 $_size_execute0_lowered;
	s6 =	sadd.s32 s6, s8;
	[dreg:$0x0] =	wrdreg $0x0  }
0xaf: {  	s8 =	sshll.u32 s28, $0x1;
	[dreg:$0x2] =	wrdreg s6  }
0xb0: {  	[dreg:$0x3] =	wrdreg s8  }
0xb1: {  	[dreg:$0x4] =	wrdreg $0xC0  }
0xb2: {  	_ =	task [dreg:s10], $0x5FFFF  }
0xb3: {  	[dreg:$0x1] =	wrdreg $0xFFFFFFFF  }
0xb4: {  	[dreg:$0x0] =	wrdreg $0x60  }
0xb5: {  	[dreg:$0x2] =	wrdreg s15  }
0xb6: {  	[dreg:$0x3] =	wrdreg s4  }
0xb7: {  	[dreg:$0x4] =	wrdreg s16  }
0xb8: {  	[dreg:$0x5] =	wrdreg s24  }
0xb9: {  	[dreg:$0x6] =	wrdreg s17  }
0xba: {  	[dreg:$0x7] =	wrdreg $0x9  }
0xbb: {  	_ =	task.clear_ibuf [dreg:s10], $0x8FFFF;
	_ =	strace $0x90000046  }
0xbc: {  	s29 =	simm.s32 $0x9;
	_ =	strace $0x80000048  }
0xbd: {  	_ =	swait.ge [sflag:s29], $0x1  }
0xbe: {  	[sflag:s29] =	ssyncadd.s32 $0xFFFFFFFF  }
0xbf: {  	_ =	strace $0x90000048  }
0xc0: {  	_ =	sfence  }
0xc1: {  	s30 =	sld [smem:$0x0];
	_ =	sdelay $0x2  }
0xc2: {  	s31 =	sshll.u32 s1, $0xD;
	s1 =	sshrl.u32 s1, $0x2  }
0xc3: {  	s3 =	sand.u32 $0x4000, s31;
	s1 =	sadd.s32 s1, s30  }
0xc4: {  	s0 =	sor.u32 s3, s0;
	s1 =	sshll.u32 s1, $0x11  }
0xc5: {  	s0 =	sor.u32 s1, s0  }
0xc6: {  	s0 =	sadd.s32 $0x8F2B, s0  }
0xc7: {  	[sflag:s0] =	ssyncadd.remote.s32 $0x1  }
0xc8: {  	_ =	sfence.sel $0xFFFF  }
0xc9: {  	[dreg:$0x0] =	wrdreg $0xFFFFFFFF;
	(pc) =	sbr.abs _section_cstart, $3  }
0xca: {  	[dreg:$0x1] =	wrdreg $0xFFFFFFFF  }
0xcb: {  	_ =	task.clear_ibuf [dreg:s10], $0x2FFFF;
	_ =	strace $0x9FFFFFFF  }
0xcc: {  	(tm) =	ssettm $0x7FFFFFFF  }
0xcd: {  	_ =	shalt  }
tec
execute0_lowered:
.L_overlay_start_1:
0x0: {  	(tag) =	ssettag $0x1  }
0x1: {  	s0 =	rddreg [dreg:$0x0]  }
0x2: {  	s2 =	rddreg [dreg:$0x1]  }
0x3: {  	s4 =	rddreg [dreg:$0x3]  }
0x4: {  	s7 =	rddreg [dreg:$0x4]  }
0x5: {  	s5 =	srdreg.scid;
	s1 =	stileid.u32  }
0x6: {  	s3 =	simm.s32 $0x0;
	s10 =	simm.s32 $0x400;
	s11 =	simm.s32 $0x1  }
0x7: {  	s12 =	simm.s32 $0x5D0;
	s13 =	simm.s32 $0x15D0;
	s14 =	simm.s32 $0x0  }
0x8: {  	s5 =	sand.u32 $0x1, s5;
	s6 =	sshll.u32 s1, $0x1;
	[smem:$0x7FF] =	sst s3  }
0x9: {  	s6 =	sor.u32 s5, s6;
	s5 =	ssub.s32 $0x2, s5;
	_ =	strace $0x80000047  }
0xa: {  	s8 =	sshll.u32 s6, $0x9;
	s9 =	sshrl.u32 s5, $0x1;
	s30 =	sshll.u32 s6, $0x6  }
0xb: {  	s31 =	sshll.u32 s6, $0x8;
	s8 =	sadd.s32 s8, s4;
	s9 =	ssub.s32 s5, s9  }
0xc: {  	s4 =	sadd.s32 s0, s30;
	s5 =	sadd.s32 s2, s30;
	s7 =	sadd.s32 s7, s31  }
0xd: {  	s6 =	sadd.s32 $0x1200, s8;
	s8 =	smax.u32 s9, $0x1;
	s9 =	simm.s32 $0x200  }
.LBB2_1:
0xe: {  	[tilespmem:s3], [sflag:$0x1] =	stream.linear.gather [hbm4b:s4+s3], $0x200, $0x38;
	[tilespmem:$0x1DD0] =	vst v63  }
0xf: {  	_ = 	snop  }
0x10: {  	[tilespmem:s9], [sflag:$0x1] =	stream.linear.gather [hbm4b:s5+s3], $0x200, $0x38;
	[tilespmem:$0x1DD0] =	vst v63  }
0x11: {  	s0 =	rddreg [dreg:$0x2]  }
0x12: {  	[tilespmem:s10], [sflag:$0x1] =	stream.linear.gather [hbm4b:s0+s3], $0x1D0, $0x38;
	[tilespmem:$0x1DD0] =	vst v63  }
0x13: {  	_ =	swait.ge [sflag:s11], $0x200  }
0x14: {  	[sflag:s11] =	ssyncset.done $0x0  }
0x15: {  	[sflag:s11] =	ssyncadd.s32 $0xFFFFFE00  }
0x16: {  	_ =	swait.ge [sflag:s11], $0x200  }
0x17: {  	[sflag:s11] =	ssyncset.done $0x0  }
0x18: {  	[sflag:s11] =	ssyncadd.s32 $0xFFFFFE00  }
0x19: {  	_ =	swait.ge [sflag:s11], $0x1D0  }
0x1a: {  	[sflag:s11] =	ssyncset.done $0x0  }
0x1b: {  	s1 =	simm.s32 $0x10;
	[sflag:s11] =	ssyncadd.s32 $0xFFFFFE30  }
0x1c: {  	v0 =	vld [tilespmem:s1+$0xFFFFFFF0];
	_ =	sdelay $0x1  }
0x1d: {  	v1 =	vld [tilespmem:s1+$0x0];
	_ =	sdelay $0x2  }
0x1e: {  	v0 =	vmul.u32 $0x5, v0;
	_ =	sdelay $0x1  }
0x1f: {  	v1 =	vmul.u32 $0x5, v1;
	_ =	sdelay $0x3  }
0x20: {  	v2 =	vld.idx.msk [tilespmem:v0+s10+$0x0], $0xffff  }
0x21: {  	s15 =	simm.s32 $0x0;
	v4 =	vadd.s32 $0x1, v0  }
0x22: {  	s2 =	simm.s32 $0x210;
	s16 =	simm.s32 $0x0;
	s15 =	sand.u32 $0x3FFFFC00, s15;
	v5 =	vld.idx.msk [tilespmem:v1+s10+$0x0], $0xffff  }
0x23: {  	s17 =	simm.s32 $0x30;
	s18 =	sand.u32 $0x60, s16;
	s15 =	sadd.s32 $0x5D0, s15;
	v3 =	vld [tilespmem:s2+$0xFFFFFFF0];
	v7 =	vadd.s32 $0x1, v1  }
0x24: {  	s21 =	sadd.s32 s18, s15;
	v8 =	vld [tilespmem:s17+$0xFFFFFFF0]  }
0x25: {  	s0 =	sand.u32 $0x70, s1;
	v9 =	vld [tilespmem:s17+$0x0];
	[tilespmem:s21+$0x0] =	vst v2  }
0x26: {  	s20 =	sadd.s32 s0, s15;
	v2 =	vld.idx.msk [tilespmem:v4+s10+$0x0], $0xffff  }
0x27: {  	v6 =	vld [tilespmem:s2+$0x0];
	[tilespmem:s20+$0x0] =	vst v5;
	v4 =	vadd.s32 $0x2, v0  }
0x28: {  	v5 =	vld.idx.msk [tilespmem:v7+s10+$0x0], $0xffff  }
0x29: {  	v7 =	vadd.s32 $0x2, v1  }
0x2a: {  	v9 =	vmul.u32 $0x5, v9  }
0x2b: {  	[tilespmem:s21+$0x80] =	vst v2;
	v2 =	vmul.u32 $0x5, v8  }
0x2c: {  	v4 =	vld.idx.msk [tilespmem:v4+s10+$0x0], $0xffff  }
0x2d: {  	[tilespmem:s20+$0x80] =	vst v5;
	v5 =	vadd.s32 $0x3, v0  }
0x2e: {  	s19 =	simm.s32 $0x230;
	v7 =	vld.idx.msk [tilespmem:v7+s10+$0x0], $0xffff  }
0x2f: {  	v10 =	vld [tilespmem:s19+$0xFFFFFFF0];
	v8 =	vadd.s32 $0x3, v1  }
0x30: {  	v11 =	vld.idx.msk [tilespmem:v9+s10+$0x0], $0xffff  }
0x31: {  	s22 =	simm.s32 $0x100;
	v13 =	vld.idx.msk [tilespmem:v2+s10+$0x0], $0xffff;
	[tilespmem:s21+$0x100] =	vst v4;
	v4 =	vadd.s32 $0x1, v9  }
0x32: {  	s15 =	sand.u32 $0x3FFFFC00, s22;
	v14 =	vadd.s32 $0x1, v2;
	v5 =	vld.idx.msk [tilespmem:v5+s10+$0x0], $0xffff  }
0x33: {  	s23 =	simm.s32 $0x20;
	s22 =	sadd.s32 $0x5D0, s15;
	s15 =	sand.u32 $0x70, s17;
	v12 =	vld [tilespmem:s19+$0x0];
	[tilespmem:s20+$0x100] =	vst v7  }
0x34: {  	s16 =	sand.u32 $0x60, s23;
	s19 =	simm.s32 $0x50;
	s17 =	sadd.s32 s15, s22;
	v0 =	vadd.s32 $0x4, v0;
	v7 =	vld.idx.msk [tilespmem:v8+s10+$0x0], $0xffff  }
0x35: {  	s2 =	sadd.s32 s16, s22;
	[tilespmem:s17+$0x0] =	vst v11;
	v8 =	vld [tilespmem:s19+$0x0]  }
0x36: {  	v1 =	vadd.s32 $0x4, v1;
	[tilespmem:s2+$0x0] =	vst v13;
	v4 =	vld.idx.msk [tilespmem:v4+s10+$0x0], $0xffff  }
0x37: {  	v11 =	vld.idx.msk [tilespmem:v14+s10+$0x0], $0xffff;
	[tilespmem:s21+$0x180] =	vst v5;
	v5 =	vadd.s32 $0x2, v9  }
0x38: {  	v15 =	vld [tilespmem:s19+$0xFFFFFFF0];
	v3 =	vmul.u32 $0x3, v3;
	v14 =	vadd.s32 $0x2, v2  }
0x39: {  	s24 =	simm.s32 $0x250;
	v13 =	vld.idx.msk [tilespmem:v0+s10+$0x0], $0xffff  }
0x3a: {  	v18 =	vld [tilespmem:s24+$0xFFFFFFF0];
	v6 =	vmul.u32 $0x3, v6;
	[tilespmem:s20+$0x180] =	vst v7;
	v7 =	vadd.s32 $0x190, v3  }
0x3b: {  	v16 =	vld.idx.msk [tilespmem:v1+s10+$0x0], $0xffff;
	[tilespmem:s17+$0x80] =	vst v4  }
0x3c: {  	v17 =	vadd.s32 $0x190, v6;
	v0 =	vmul.u32 $0x5, v8;
	[tilespmem:s2+$0x80] =	vst v11;
	v4 =	vld.idx.msk [tilespmem:v5+s10+$0x0], $0xffff  }
0x3d: {  	v1 =	vmul.u32 $0x5, v15;
	v5 =	vld.idx.msk [tilespmem:v14+s10+$0x0], $0xffff  }
0x3e: {  	[tilespmem:s21+$0x200] =	vst v13;
	v14 =	vld [tilespmem:s24+$0x0]  }
0x3f: {  	s28 =	simm.s32 $0x70;
	v15 =	vadd.s32 $0x3, v9;
	v7 =	vld.idx.msk [tilespmem:v7+s10+$0x0], $0xffff  }
0x40: {  	s25 =	simm.s32 $0x0;
	v8 =	vadd.s32 $0x3, v2;
	[tilespmem:s20+$0x200] =	vst v16;
	v16 =	vld [tilespmem:s28+$0xFFFFFFF0]  }
0x41: {  	v11 =	vadd.s32 $0x191, v3;
	s20 =	sand.u32 $0x3FFFFE00, s25;
	v13 =	vld.idx.msk [tilespmem:v17+s10+$0x0], $0xffff  }
0x42: {  	v17 =	vadd.s32 $0x191, v6;
	v19 =	vld.idx.msk [tilespmem:v0+s10+$0x0], $0xffff;
	s20 =	sadd.s32 $0x15D0, s20;
	[tilespmem:s17+$0x100] =	vst v4  }
0x43: {  	s29 =	sadd.s32 s18, s20;
	[tilespmem:s2+$0x100] =	vst v5;
	v5 =	vld.idx.msk [tilespmem:v1+s10+$0x0], $0xffff  }
0x44: {  	s26 =	simm.s32 $0x200;
	v15 =	vld.idx.msk [tilespmem:v15+s10+$0x0], $0xffff;
	[tilespmem:s29+$0x0] =	vst v7;
	v7 =	vadd.s32 $0x1, v0  }
0x45: {  	s18 =	sand.u32 $0x3FFFFC00, s26;
	s23 =	sadd.s32 s0, s20;
	v4 =	vadd.s32 $0x1, v1;
	v8 =	vld.idx.msk [tilespmem:v8+s10+$0x0], $0xffff  }
0x46: {  	v9 =	vadd.s32 $0x4, v9;
	s21 =	simm.s32 $0x40;
	s1 =	sadd.s32 $0x5D0, s18;
	s18 =	sand.u32 $0x70, s19;
	[tilespmem:s23+$0x0] =	vst v13;
	v11 =	vld.idx.msk [tilespmem:v11+s10+$0x0], $0xffff  }
0x47: {  	v2 =	vadd.s32 $0x4, v2;
	s20 =	sand.u32 $0x60, s21;
	s26 =	sadd.s32 s18, s1;
	v13 =	vld.idx.msk [tilespmem:v17+s10+$0x0], $0xffff  }
0x48: {  	v3 =	vadd.s32 $0x192, v3;
	s21 =	sadd.s32 s20, s1;
	[tilespmem:s26+$0x0] =	vst v19;
	v17 =	vld [tilespmem:s28+$0x0]  }
0x49: {  	[tilespmem:s21+$0x0] =	vst v5;
	v5 =	vld.idx.msk [tilespmem:v7+s10+$0x0], $0xffff  }
0x4a: {  	v6 =	vadd.s32 $0x192, v6;
	[tilespmem:s17+$0x180] =	vst v15;
	v63 =	vld.idx.msk [tilespmem:v4+s10+$0x0], $0xffff  }
0x4b: {  	v20 =	vadd.s32 $0x2, v0;
	[tilespmem:s2+$0x180] =	vst v8;
	v8 =	vld.idx.msk [tilespmem:v9+s10+$0x0], $0xffff;
	v4 =	vmul.u32 $0x3, v10  }
0x4c: {  	v22 =	vadd.s32 $0x2, v1;
	v21 =	vld.idx.msk [tilespmem:v2+s10+$0x0], $0xffff;
	[tilespmem:s29+$0x80] =	vst v11  }
0x4d: {  	s30 =	simm.s32 $0x270;
	v11 =	vld.idx.msk [tilespmem:v3+s10+$0x0], $0xffff;
	v3 =	vmul.u32 $0x3, v12;
	v12 =	vadd.s32 $0x190, v4  }
0x4e: {  	s22 =	simm.s32 $0x80;
	s24 =	simm.s32 $0x100;
	[tilespmem:s23+$0x80] =	vst v13;
	v13 =	vld [tilespmem:s30+$0xFFFFFFF0]  }
0x4f: {  	s25 =	sand.u32 $0x3FFFFE00, s22;
	s22 =	sand.u32 $0x3FFFFE00, s24;
	s1 =	simm.s32 $0x300;
	v7 =	vld.idx.msk [tilespmem:v6+s10+$0x0], $0xffff;
	v10 =	vadd.s32 $0x190, v3;
	[tilespmem:s26+$0x80] =	vst v5  }
0x50: {  	s24 =	simm.s32 $0x180;
	s31 =	sand.u32 $0x3FFFFC00, s1;
	v2 =	vmul.u32 $0x3, v14;
	v6 =	vmul.u32 $0x5, v17;
	[tilespmem:s21+$0x80] =	vst v63;
	v14 =	vld.idx.msk [tilespmem:v20+s10+$0x0], $0xffff  }
0x51: {  	s0 =	simm.s32 $0x6;
	s24 =	sand.u32 $0x3FFFFE00, s24;
	s31 =	sadd.s32 $0x5D0, s31;
	v9 =	vmul.u32 $0x5, v16;
	v5 =	vmul.u32 $0x3, v18;
	v15 =	vld.idx.msk [tilespmem:v22+s10+$0x0], $0xffff;
	[tilespmem:s2+$0x200] =	vst v21  }
.LBB2_2:
0x52: {  	s0 =	sadd.s32 $0x2, s0;
	v12 =	vld.idx.msk [tilespmem:v12+s10+$0x0], $0xffff;
	[tilespmem:s29+$0x100] =	vst v11  }
0x53: {  	v16 =	vadd.s32 $0x3, v1;
	s2 =	sshll.u32 s0, $0x7;
	s29 =	sshll.u32 s0, $0x6;
	p0 =	slt.u32 s0, $0x1E;
	v11 =	vld [tilespmem:s30+$0x0];
	[tilespmem:s17+$0x200] =	vst v8  }
0x54: {  	s28 =	sadd.s32 $0x20, s28;
	v17 =	vadd.s32 $0x191, v4;
	s2 =	sand.u32 $0x3FFFFC00, s2;
	s1 =	sand.u32 $0x3FFFFE00, s29;
	v8 =	vmul.u32 $0x3, v13;
	v13 =	vadd.s32 $0x3, v0;
	v10 =	vld.idx.msk [tilespmem:v10+s10+$0x0], $0xffff;
	[tilespmem:s23+$0x100] =	vst v7  }
0x55: {  	s17 =	smov.u32 s26;
	v7 =	vadd.s32 $0x191, v3;
	v18 =	vld [tilespmem:s28+$0xFFFFFFF0];
	s2 =	sadd.s32 $0x5D0, s2  }
0x56: {  	s23 =	sadd.s32 $0x15D0, s25;
	s25 =	smov.u32 s22;
	s22 =	smov.u32 s24;
	v19 =	vld.idx.msk [tilespmem:v6+s10+$0x0], $0xffff;
	[tilespmem:s17+$0x100] =	vst v14  }
0x57: {  	s29 =	sadd.s32 s16, s23;
	s24 =	smov.u32 s1;
	s16 =	smov.u32 s20;
	v14 =	vld.idx.msk [tilespmem:v9+s10+$0x0], $0xffff;
	[tilespmem:s21+$0x100] =	vst v15  }
0x58: {  	s23 =	sadd.s32 s15, s23;
	s15 =	smov.u32 s18;
	v15 =	vadd.s32 $0x1, v6;
	v11 =	vmul.u32 $0x3, v11;
	v16 =	vld.idx.msk [tilespmem:v16+s10+$0x0], $0xffff;
	[tilespmem:s29+$0x0] =	vst v12  }
0x59: {  	s19 =	sadd.s32 $0x20, s19;
	v12 =	vadd.s32 $0x1, v9;
	v17 =	vld.idx.msk [tilespmem:v17+s10+$0x0], $0xffff  }
0x5a: {  	v20 =	vadd.s32 $0x4, v1;
	v1 =	vmov v9;
	s1 =	sadd.s32 $0xFFFFFFF0, s19;
	s18 =	sand.u32 $0x70, s19;
	v13 =	vld.idx.msk [tilespmem:v13+s10+$0x0], $0xffff;
	[tilespmem:s23+$0x0] =	vst v10  }
0x5b: {  	s20 =	sand.u32 $0x60, s1;
	s26 =	sadd.s32 s18, s31;
	v9 =	vadd.s32 $0x4, v0;
	v0 =	vmovc v6;
	v10 =	vadd.s32 $0x192, v4;
	v4 =	vmovc v5;
	v5 =	vmov v8;
	v7 =	vld.idx.msk [tilespmem:v7+s10+$0x0], $0xffff  }
0x5c: {  	s1 =	sadd.s32 s20, s31;
	s31 =	smov.u32 s2;
	v6 =	vld [tilespmem:s28+$0x0];
	[tilespmem:s26+$0x0] =	vst v19;
	v19 =	vadd.s32 $0x192, v3;
	v3 =	vmov v2;
	v2 =	vmov v11  }
0x5d: {  	[tilespmem:s1+$0x0] =	vst v14;
	v14 =	vld.idx.msk [tilespmem:v15+s10+$0x0], $0xffff  }
0x5e: {  	v15 =	vld.idx.msk [tilespmem:v12+s10+$0x0], $0xffff;
	[tilespmem:s21+$0x180] =	vst v16  }
0x5f: {  	v16 =	vadd.s32 $0x2, v0;
	v20 =	vld.idx.msk [tilespmem:v20+s10+$0x0], $0xffff;
	[tilespmem:s29+$0x80] =	vst v17  }
0x60: {  	v17 =	vadd.s32 $0x2, v1;
	[tilespmem:s17+$0x180] =	vst v13;
	v11 =	vld.idx.msk [tilespmem:v10+s10+$0x0], $0xffff  }
.Ltmp0:
0x61: {  	v12 =	vadd.s32 $0x190, v4;
	v8 =	vld.idx.msk [tilespmem:v9+s10+$0x0], $0xffff;
	[tilespmem:s23+$0x80] =	vst v7;
	(pc) =	sbr.rel @p0 .LBB2_2-.Ltmp0, $4  }
0x62: {  	s30 =	sadd.s32 $0x20, s30;
	v10 =	vadd.s32 $0x190, v3;
	v7 =	vld.idx.msk [tilespmem:v19+s10+$0x0], $0xffff  }
0x63: {  	v13 =	vld [tilespmem:s30+$0xFFFFFFF0];
	[tilespmem:s26+$0x80] =	vst v14  }
0x64: {  	v6 =	vmul.u32 $0x5, v6;
	[tilespmem:s1+$0x80] =	vst v15;
	v14 =	vld.idx.msk [tilespmem:v16+s10+$0x0], $0xffff  }
0x65: {  	v9 =	vmul.u32 $0x5, v18;
	v15 =	vld.idx.msk [tilespmem:v17+s10+$0x0], $0xffff;
	[tilespmem:s21+$0x200] =	vst v20;
	s21 =	smov.u32 s1  }
0x66: {  	_ =	sdelay $0x3  }
0x67: {  	v17 =	vld.idx.msk [tilespmem:v6+s10+$0x0], $0xffff  }
0x68: {  	s0 =	sadd.s32 $0x20, s19;
	v19 =	vadd.s32 $0x1, v6;
	v16 =	vld.idx.msk [tilespmem:v9+s10+$0x0], $0xffff  }
0x69: {  	v18 =	vadd.s32 $0x1, v9;
	s1 =	sadd.s32 $0xFFFFFFF0, s0  }
0x6a: {  	s0 =	sand.u32 $0x70, s0;
	s2 =	sand.u32 $0x60, s1  }
0x6b: {  	s1 =	sadd.s32 s2, s31;
	s31 =	sadd.s32 s0, s31  }
0x6c: {  	v20 =	vld [tilespmem:s30+$0x0];
	[tilespmem:s31+$0x0] =	vst v17  }
0x6d: {  	[tilespmem:s1+$0x0] =	vst v16;
	v17 =	vld.idx.msk [tilespmem:v19+s10+$0x0], $0xffff  }
0x6e: {  	v31 =	vadd.s32 $0x2, v6;
	v16 =	vld.idx.msk [tilespmem:v18+s10+$0x0], $0xffff  }
0x6f: {  	v30 =	vadd.s32 $0x2, v9;
	_ =	sdelay $0x2  }
0x70: {  	v21 =	vadd.s32 $0x3, v1;
	[tilespmem:s31+$0x80] =	vst v17  }
0x71: {  	v32 =	vadd.s32 $0x3, v0;
	[tilespmem:s1+$0x80] =	vst v16;
	v34 =	vld.idx.msk [tilespmem:v31+s10+$0x0], $0xffff  }
0x72: {  	v22 =	vadd.s32 $0x3, v6;
	v33 =	vld.idx.msk [tilespmem:v30+s10+$0x0], $0xffff  }
0x73: {  	v35 =	vadd.s32 $0x3, v9  }
0x74: {  	[tilespmem:s21+$0x100] =	vst v15  }
0x75: {  	[tilespmem:s26+$0x100] =	vst v14;
	v36 =	vld.idx.msk [tilespmem:v21+s10+$0x0], $0xffff  }
0x76: {  	v37 =	vadd.s32 $0x4, v1;
	v38 =	vld.idx.msk [tilespmem:v32+s10+$0x0], $0xffff;
	[tilespmem:s31+$0x100] =	vst v34  }
0x77: {  	v39 =	vadd.s32 $0x4, v0;
	[tilespmem:s1+$0x100] =	vst v33;
	v42 =	vld.idx.msk [tilespmem:v22+s10+$0x0], $0xffff  }
0x78: {  	v43 =	vadd.s32 $0x4, v6;
	v40 =	vld.idx.msk [tilespmem:v35+s10+$0x0], $0xffff  }
0x79: {  	[tilespmem:s29+$0x100] =	vst v11;
	v41 =	vadd.s32 $0x4, v9  }
0x7a: {  	[tilespmem:s21+$0x180] =	vst v36  }
0x7b: {  	[tilespmem:s26+$0x180] =	vst v38;
	v1 =	vld.idx.msk [tilespmem:v37+s10+$0x0], $0xffff  }
0x7c: {  	v45 =	vadd.s32 $0x190, v5;
	v46 =	vmul.u32 $0x3, v20;
	v0 =	vld.idx.msk [tilespmem:v39+s10+$0x0], $0xffff;
	[tilespmem:s31+$0x180] =	vst v42  }
0x7d: {  	v47 =	vadd.s32 $0x190, v2;
	v44 =	vmul.u32 $0x3, v13;
	[tilespmem:s1+$0x180] =	vst v40;
	v6 =	vld.idx.msk [tilespmem:v43+s10+$0x0], $0xffff  }
0x7e: {  	[tilespmem:s17+$0x200] =	vst v8;
	v49 =	vadd.s32 $0x190, v46;
	v9 =	vld.idx.msk [tilespmem:v41+s10+$0x0], $0xffff  }
0x7f: {  	v12 =	vld.idx.msk [tilespmem:v12+s10+$0x0], $0xffff;
	[tilespmem:s23+$0x100] =	vst v7;
	v48 =	vadd.s32 $0x190, v44  }
0x80: {  	v50 =	vadd.s32 $0x191, v4;
	v10 =	vld.idx.msk [tilespmem:v10+s10+$0x0], $0xffff;
	[tilespmem:s21+$0x200] =	vst v1  }
0x81: {  	v51 =	vadd.s32 $0x191, v3;
	[tilespmem:s26+$0x200] =	vst v0;
	v13 =	vld.idx.msk [tilespmem:v45+s10+$0x0], $0xffff  }
0x82: {  	v52 =	vadd.s32 $0x191, v5;
	s26 =	sadd.s32 $0x15D0, s25;
	v15 =	vld.idx.msk [tilespmem:v47+s10+$0x0], $0xffff;
	[tilespmem:s31+$0x200] =	vst v6  }
0x83: {  	v53 =	vadd.s32 $0x191, v2;
	s28 =	sadd.s32 s16, s26;
	[tilespmem:s1+$0x200] =	vst v9;
	v7 =	vld.idx.msk [tilespmem:v49+s10+$0x0], $0xffff  }
0x84: {  	s29 =	sadd.s32 $0x15D0, s22;
	v55 =	vadd.s32 $0x191, v46;
	s15 =	sadd.s32 s15, s26;
	[tilespmem:s28+$0x0] =	vst v12;
	v8 =	vld.idx.msk [tilespmem:v48+s10+$0x0], $0xffff  }
0x85: {  	s30 =	sadd.s32 s20, s29;
	v54 =	vadd.s32 $0x191, v44;
	[tilespmem:s15+$0x0] =	vst v10;
	v12 =	vld.idx.msk [tilespmem:v50+s10+$0x0], $0xffff  }
0x86: {  	v56 =	vadd.s32 $0x192, v4;
	s16 =	sadd.s32 s18, s29;
	v1 =	vld.idx.msk [tilespmem:v51+s10+$0x0], $0xffff;
	[tilespmem:s30+$0x0] =	vst v13;
	s31 =	sadd.s32 $0x15D0, s24  }
0x87: {  	v57 =	vadd.s32 $0x192, v3;
	[tilespmem:s16+$0x0] =	vst v15;
	v0 =	vld.idx.msk [tilespmem:v52+s10+$0x0], $0xffff;
	s0 =	sadd.s32 s0, s31  }
0x88: {  	v58 =	vadd.s32 $0x192, v5;
	s2 =	sadd.s32 s2, s31;
	v9 =	vld.idx.msk [tilespmem:v53+s10+$0x0], $0xffff;
	[tilespmem:s0+$0x0] =	vst v7  }
0x89: {  	v59 =	vadd.s32 $0x192, v2;
	[tilespmem:s2+$0x0] =	vst v8;
	v61 =	vld.idx.msk [tilespmem:v55+s10+$0x0], $0xffff  }
0x8a: {  	v62 =	vadd.s32 $0x192, v46;
	[tilespmem:s28+$0x80] =	vst v12;
	v6 =	vld.idx.msk [tilespmem:v54+s10+$0x0], $0xffff  }
0x8b: {  	v60 =	vadd.s32 $0x192, v44;
	[tilespmem:s15+$0x80] =	vst v1;
	v4 =	vld.idx.msk [tilespmem:v56+s10+$0x0], $0xffff  }
0x8c: {  	v3 =	vld.idx.msk [tilespmem:v57+s10+$0x0], $0xffff;
	[tilespmem:s30+$0x80] =	vst v0  }
0x8d: {  	v0 =	vld.idx.msk [tilespmem:v58+s10+$0x0], $0xffff;
	[tilespmem:s16+$0x80] =	vst v9  }
0x8e: {  	v2 =	vld.idx.msk [tilespmem:v59+s10+$0x0], $0xffff;
	[tilespmem:s0+$0x80] =	vst v61  }
0x8f: {  	[tilespmem:s2+$0x80] =	vst v6;
	v1 =	vld.idx.msk [tilespmem:v62+s10+$0x0], $0xffff  }
0x90: {  	[tilespmem:s28+$0x100] =	vst v4;
	v63 =	vld.idx.msk [tilespmem:v60+s10+$0x0], $0xffff  }
0x91: {  	[tilespmem:s15+$0x100] =	vst v3  }
0x92: {  	[tilespmem:s30+$0x100] =	vst v0  }
0x93: {  	[tilespmem:s16+$0x100] =	vst v2  }
0x94: {  	[tilespmem:s0+$0x100] =	vst v1  }
0x95: {  	[tilespmem:s2+$0x100] =	vst v63  }
0x96: {  	[hbm4b:s6+s3] =	stream.linear.scatter [tilespmem:s12], [sflag:$0x1], $0x1000, $0x38;
	[tilespmem:$0x1DD0] =	vst v63  }
0x97: {  	s14 =	sadd.s32 $0x1, s14  }
0x98: {  	[hbm4b:s7+s3] =	stream.linear.scatter [tilespmem:s13], [sflag:$0x1], $0x800, $0x38;
	[tilespmem:$0x1DD0] =	vst v63  }
0x99: {  	p0 =	sne.s32 s14, s8;
	_ =	swait.ge [sflag:s11], $0x1000  }
.Ltmp1:
0x9a: {  	[sflag:s11] =	ssyncset.done $0x0;
	(pc) =	sbr.rel @p0 .LBB2_1-.Ltmp1, $4  }
0x9b: {  	[sflag:s11] =	ssyncadd.s32 $0xFFFFF000  }
0x9c: {  	_ =	swait.ge [sflag:s11], $0x800  }
0x9d: {  	[sflag:s11] =	ssyncset.done $0x0  }
0x9e: {  	[sflag:s11] =	ssyncadd.s32 $0xFFFFF800  }
0x9f: {  	_ =	sfence.sel $0x180000  }
0xa0: {  	[bflag:$0x0] =	sbarrier.arrive $0xFFFF  }
0xa1: {  	_ =	strace $0x90000047  }
0xa2: {  	s0 =	stileid.u32;
	[bflag:$0x2] =	sbarrier.arrive $0xFFFF  }
0xa3: {  	p0 =	sne.s32 s0, $0x0;
	s0 =	rddreg [dreg:$0x5]  }
0xa4: {  	s0 =	sadd.s32 @!p0 $0x100000, s0  }
0xa5: {  	[sflag:s0] =	ssyncadd.tile.s32 @!p0 $0x1;
	_ =	shalt  }
.Lfunc_end2:
_tile_overlayer_lowered:
.L_overlay_start_2:
0xa6: {  	(tag) =	ssettag $0x2  }
0xa7: {  	s0 =	rddreg [dreg:$0x0];
	s2 =	stileid.u32  }
0xa8: {  	s1 =	rddreg [dreg:$0x1];
	p0 =	sne.s32 s2, $0x0  }
0xa9: {  	s3 =	rddreg [dreg:$0x2];
	[bflag:$0x3] =	sbarrier.arrive $0xFFFF;
	s2 =	simm.s32 @!p0 $0x1C02  }
0xaa: {  	[timem:s3], [sflag:s2] =	dma.local @!p0 [hbm:s0], s1  }
0xab: {  	s0 =	simm.s32 @!p0 $0x2  }
0xac: {  	_ =	swait.ge @!p0 [sflag:s0], s1  }
0xad: {  	s1 =	ssub.s32 @!p0 $0x0, s1;
	[sflag:s0] =	ssyncset.done @!p0 $0x0  }
0xae: {  	[sflag:s0] =	ssyncadd.s32 @!p0 s1  }
0xaf: {  	[bflag:$0x3] =	sbarrier.arrive $0xFFFF  }
0xb0: {  	_ =	shalt  }

</sc_bundles>
